<compile_context>
chip_gen: v7x
topology: tpu7x:2x2x1
jax: 0.10.2.dev20260603
libtpu: 0.0.44.dev20260713+nightly
codegen_flags: <defaults>
</compile_context>

<pallas_src>
import functools

import jax
import jax.numpy as jnp
from jax import lax
from jax.experimental import pallas as pl
from jax.experimental.pallas import tpu as pltpu
from jax.experimental.pallas import tpu_sc as plsc

_NC = 2
_NS = 16


def _sc_body(b_per_w, dummy_hbm, table_hbm, out_hbm, shared, fsem, osem):
    del dummy_hbm
    c = table_hbm.shape[0]
    sid = lax.axis_index("s")
    wid = sid * _NC + lax.axis_index("c")
    base = pl.multiple_of(wid * b_per_w, b_per_w)
    nslab = b_per_w // 8

    nrep = shared.shape[0]

    @pl.when(sid < nrep)
    def _fill():
        for j in range(c):
            pltpu.make_async_copy(
                table_hbm.at[j], shared.at[sid, j], fsem
            ).start()
        for j in range(c):
            pltpu.make_async_copy(
                table_hbm.at[j], shared.at[sid, j], fsem
            ).wait()

    plsc.subcore_barrier()
    rep = lax.rem(sid, nrep)
    for j in range(c):
        for t in range(nslab):
            pltpu.make_async_copy(
                shared.at[rep, j],
                out_hbm.at[j, pl.ds(base + 8 * t, 8), :],
                osem,
            ).start()
    for j in range(c):
        for t in range(nslab):
            pltpu.make_async_copy(
                shared.at[rep, j],
                out_hbm.at[j, pl.ds(base + 8 * t, 8), :],
                osem,
            ).wait()


def kernel(dummy, position_ids):
    b = dummy.shape[0]
    _, c, one, s = position_ids.shape
    table = lax.bitcast_convert_type(position_ids.reshape(c, 1, s), jnp.bfloat16)
    table8 = jnp.broadcast_to(table, (c, 8, s))
    b_per_w = b // (_NC * _NS)
    mesh = plsc.VectorSubcoreMesh(core_axis_name="c", subcore_axis_name="s")
    run = functools.partial(
        pl.kernel,
        mesh=mesh,
        out_type=jax.ShapeDtypeStruct((c, b, s), jnp.bfloat16),
        scratch_types=[
            pltpu.VMEM_SHARED((4, c, 8, s), jnp.bfloat16),
            pltpu.SemaphoreType.DMA,
            pltpu.SemaphoreType.DMA,
        ],
    )(functools.partial(_sc_body, b_per_w))
    out = run(dummy, table8)
    out16 = lax.bitcast_convert_type(out, position_ids.dtype)
    return jnp.transpose(out16, (1, 0, 2)).reshape(b, c, one, s)

# --- scband reference (transcript-rebuilt; emitter-appended) ---
"""Pipeline reference for scband-qwen-vl-part-c-48627619725398 (READ-ONLY COPY).

The authoritative reference and input builder live on the scoring server;
editing this copy changes nothing except your own understanding.
"""

import jax, jax.numpy as jnp
import numpy as np

MAX_SEQ_LEN = 32768
BATCH = 1024


def setup_inputs(seed: int = 0) -> dict:
    key = jax.random.key(seed)
    # dummy indexes dim 0 of position_ids (size 1), so all values must be 0
    dummy = jax.random.randint(key, (BATCH,), 0, 1, dtype=jnp.int32)
    # buffer created in __init__: arange(0, max_seq_len, fp16).repeat(1,3,1,1) -> [1,3,1,S]
    position_ids = jnp.broadcast_to(
        jnp.arange(0, MAX_SEQ_LEN, dtype=jnp.float16).reshape(1, 1, 1, MAX_SEQ_LEN),
        (1, 3, 1, MAX_SEQ_LEN),
    )
    return {"dummy": dummy, "position_ids": position_ids}


def reference(dummy, position_ids):
    # forward: self.position_ids[dummy]
    # advanced integer indexing on dim 0 -> output [B, 3, 1, S]
    return jnp.take(position_ids, dummy, axis=0)

if __name__ == "__main__":
    import jax
    _d = setup_inputs()
    print(jax.jit(kernel)(*tuple(_d.values())))

</pallas_src>

<mosaic_0001>
#map = affine_map<(d0, d1) -> (0)>
#map1 = affine_map<(d0, d1) -> (0, 0, 0)>
module attributes {stable_mosaic.version = 14 : i64} {
  func.func @_sc_body(%arg0: i32, %arg1: i32, %arg2: memref<1024xi32, #tpu.memory_space<hbm>>, %arg3: memref<3x8x32768xbf16, #tpu.memory_space<hbm>>, %arg4: memref<3x1024x32768xbf16, #tpu.memory_space<hbm>>, %arg5: memref<4x3x8x32768xbf16, #tpu.memory_space<vmem_shared>>, %arg6: memref<!tpu.dma_semaphore, #tpu.memory_space<semaphore_mem>>, %arg7: memref<!tpu.dma_semaphore, #tpu.memory_space<semaphore_mem>>) attributes {dimension_semantics = [#tpu.dimension_semantics<core_parallel>, #tpu.dimension_semantics<subcore_parallel>], iteration_bounds = array<i64: 2, 16>, scalar_prefetch = 0 : i64, scratch_operands = 3 : i64, tpu.core_type = #tpu.core_type<sc_vector_subcore>, window_params = [{transform_indices = #map}, {transform_indices = #map1}, {transform_indices = #map1}]} {
    %mul3A = arith.constant 2 : i32
    %mul3A_0 = arith.muli %arg1, %mul3A : i32
    %add3A = arith.addi %mul3A_0, %arg0 : i32
    %mul3A_1 = arith.constant 32 : i32
    %mul3A_2 = arith.muli %add3A, %mul3A_1 : i32
    %multiple_of3A = tpu.assume_multiple %mul3A_2, 32 : i32
    %lt3A = arith.constant 4 : i32
    %lt3A_3 = arith.cmpi slt, %arg1, %lt3A : i32
    %convert_element_type3A = arith.extui %lt3A_3 : i1 to i32
    %cond3A = arith.constant 0 : i32
    %cond3A_4 = arith.cmpi ne, %convert_element_type3A, %cond3A : i32
    scf.if %cond3A_4 {
      %dma_start3A_268 = arith.constant 0 : i32
      %dma_start3A_269 = arith.constant 0 : i32
      %dma_start3A_270 = arith.constant 0 : i32
      %dma_start3A_271 = arith.constant 0 : i32
      %dma_start3A_272 = tpu.memref_slice %arg5[%arg1, %dma_start3A_269, %dma_start3A_270, %dma_start3A_271] : memref<4x3x8x32768xbf16, #tpu.memory_space<vmem_shared>> -> memref<1x1x8x32768xbf16, #tpu.memory_space<vmem_shared>>
      %dma_start3A_273 = tpu.memref_squeeze %dma_start3A_272 : memref<1x1x8x32768xbf16, #tpu.memory_space<vmem_shared>> -> memref<8x32768xbf16, #tpu.memory_space<vmem_shared>>
      %dma_start3A_274 = arith.constant 0 : i32
      %dma_start3A_275 = arith.constant 0 : i32
      %dma_start3A_276 = tpu.memref_slice %arg3[%dma_start3A_268, %dma_start3A_274, %dma_start3A_275] : memref<3x8x32768xbf16, #tpu.memory_space<hbm>> -> memref<1x8x32768xbf16, #tpu.memory_space<hbm>>
      %dma_start3A_277 = tpu.memref_squeeze %dma_start3A_276 : memref<1x8x32768xbf16, #tpu.memory_space<hbm>> -> memref<8x32768xbf16, #tpu.memory_space<hbm>>
      tpu.enqueue_dma source(%dma_start3A_277 : memref<8x32768xbf16, #tpu.memory_space<hbm>>) target(%dma_start3A_273 : memref<8x32768xbf16, #tpu.memory_space<vmem_shared>>) target_semaphore(%arg6 : memref<!tpu.dma_semaphore, #tpu.memory_space<semaphore_mem>>)
      %dma_start3A_278 = arith.constant 1 : i32
      %dma_start3A_279 = arith.constant 1 : i32
      %dma_start3A_280 = arith.constant 0 : i32
      %dma_start3A_281 = arith.constant 0 : i32
      %dma_start3A_282 = tpu.memref_slice %arg5[%arg1, %dma_start3A_279, %dma_start3A_280, %dma_start3A_281] : memref<4x3x8x32768xbf16, #tpu.memory_space<vmem_shared>> -> memref<1x1x8x32768xbf16, #tpu.memory_space<vmem_shared>>
      %dma_start3A_283 = tpu.memref_squeeze %dma_start3A_282 : memref<1x1x8x32768xbf16, #tpu.memory_space<vmem_shared>> -> memref<8x32768xbf16, #tpu.memory_space<vmem_shared>>
      %dma_start3A_284 = arith.constant 0 : i32
      %dma_start3A_285 = arith.constant 0 : i32
      %dma_start3A_286 = tpu.memref_slice %arg3[%dma_start3A_278, %dma_start3A_284, %dma_start3A_285] : memref<3x8x32768xbf16, #tpu.memory_space<hbm>> -> memref<1x8x32768xbf16, #tpu.memory_space<hbm>>
      %dma_start3A_287 = tpu.memref_squeeze %dma_start3A_286 : memref<1x8x32768xbf16, #tpu.memory_space<hbm>> -> memref<8x32768xbf16, #tpu.memory_space<hbm>>
      tpu.enqueue_dma source(%dma_start3A_287 : memref<8x32768xbf16, #tpu.memory_space<hbm>>) target(%dma_start3A_283 : memref<8x32768xbf16, #tpu.memory_space<vmem_shared>>) target_semaphore(%arg6 : memref<!tpu.dma_semaphore, #tpu.memory_space<semaphore_mem>>)
      %dma_start3A_288 = arith.constant 2 : i32
      %dma_start3A_289 = arith.constant 2 : i32
      %dma_start3A_290 = arith.constant 0 : i32
      %dma_start3A_291 = arith.constant 0 : i32
      %dma_start3A_292 = tpu.memref_slice %arg5[%arg1, %dma_start3A_289, %dma_start3A_290, %dma_start3A_291] : memref<4x3x8x32768xbf16, #tpu.memory_space<vmem_shared>> -> memref<1x1x8x32768xbf16, #tpu.memory_space<vmem_shared>>
      %dma_start3A_293 = tpu.memref_squeeze %dma_start3A_292 : memref<1x1x8x32768xbf16, #tpu.memory_space<vmem_shared>> -> memref<8x32768xbf16, #tpu.memory_space<vmem_shared>>
      %dma_start3A_294 = arith.constant 0 : i32
      %dma_start3A_295 = arith.constant 0 : i32
      %dma_start3A_296 = tpu.memref_slice %arg3[%dma_start3A_288, %dma_start3A_294, %dma_start3A_295] : memref<3x8x32768xbf16, #tpu.memory_space<hbm>> -> memref<1x8x32768xbf16, #tpu.memory_space<hbm>>
      %dma_start3A_297 = tpu.memref_squeeze %dma_start3A_296 : memref<1x8x32768xbf16, #tpu.memory_space<hbm>> -> memref<8x32768xbf16, #tpu.memory_space<hbm>>
      tpu.enqueue_dma source(%dma_start3A_297 : memref<8x32768xbf16, #tpu.memory_space<hbm>>) target(%dma_start3A_293 : memref<8x32768xbf16, #tpu.memory_space<vmem_shared>>) target_semaphore(%arg6 : memref<!tpu.dma_semaphore, #tpu.memory_space<semaphore_mem>>)
      %dma_wait3A_298 = arith.constant 0 : i32
      %dma_wait3A_299 = arith.constant 0 : i32
      %dma_wait3A_300 = arith.constant 0 : i32
      %dma_wait3A_301 = arith.constant 0 : i32
      %dma_wait3A_302 = tpu.memref_slice %arg5[%arg1, %dma_wait3A_299, %dma_wait3A_300, %dma_wait3A_301] : memref<4x3x8x32768xbf16, #tpu.memory_space<vmem_shared>> -> memref<1x1x8x32768xbf16, #tpu.memory_space<vmem_shared>>
      %dma_wait3A_303 = tpu.memref_squeeze %dma_wait3A_302 : memref<1x1x8x32768xbf16, #tpu.memory_space<vmem_shared>> -> memref<8x32768xbf16, #tpu.memory_space<vmem_shared>>
      %dma_wait3A_304 = arith.constant 0 : i32
      %dma_wait3A_305 = arith.constant 0 : i32
      %dma_wait3A_306 = tpu.memref_slice %arg3[%dma_wait3A_298, %dma_wait3A_304, %dma_wait3A_305] : memref<3x8x32768xbf16, #tpu.memory_space<hbm>> -> memref<1x8x32768xbf16, #tpu.memory_space<hbm>>
      %dma_wait3A_307 = tpu.memref_squeeze %dma_wait3A_306 : memref<1x8x32768xbf16, #tpu.memory_space<hbm>> -> memref<8x32768xbf16, #tpu.memory_space<hbm>>
      tpu.wait_dma2 semaphore(%arg6 : memref<!tpu.dma_semaphore, #tpu.memory_space<semaphore_mem>>) src(%dma_wait3A_307 : memref<8x32768xbf16, #tpu.memory_space<hbm>>) dst(%dma_wait3A_303 : memref<8x32768xbf16, #tpu.memory_space<vmem_shared>>)
      %dma_wait3A_308 = arith.constant 1 : i32
      %dma_wait3A_309 = arith.constant 1 : i32
      %dma_wait3A_310 = arith.constant 0 : i32
      %dma_wait3A_311 = arith.constant 0 : i32
      %dma_wait3A_312 = tpu.memref_slice %arg5[%arg1, %dma_wait3A_309, %dma_wait3A_310, %dma_wait3A_311] : memref<4x3x8x32768xbf16, #tpu.memory_space<vmem_shared>> -> memref<1x1x8x32768xbf16, #tpu.memory_space<vmem_shared>>
      %dma_wait3A_313 = tpu.memref_squeeze %dma_wait3A_312 : memref<1x1x8x32768xbf16, #tpu.memory_space<vmem_shared>> -> memref<8x32768xbf16, #tpu.memory_space<vmem_shared>>
      %dma_wait3A_314 = arith.constant 0 : i32
      %dma_wait3A_315 = arith.constant 0 : i32
      %dma_wait3A_316 = tpu.memref_slice %arg3[%dma_wait3A_308, %dma_wait3A_314, %dma_wait3A_315] : memref<3x8x32768xbf16, #tpu.memory_space<hbm>> -> memref<1x8x32768xbf16, #tpu.memory_space<hbm>>
      %dma_wait3A_317 = tpu.memref_squeeze %dma_wait3A_316 : memref<1x8x32768xbf16, #tpu.memory_space<hbm>> -> memref<8x32768xbf16, #tpu.memory_space<hbm>>
      tpu.wait_dma2 semaphore(%arg6 : memref<!tpu.dma_semaphore, #tpu.memory_space<semaphore_mem>>) src(%dma_wait3A_317 : memref<8x32768xbf16, #tpu.memory_space<hbm>>) dst(%dma_wait3A_313 : memref<8x32768xbf16, #tpu.memory_space<vmem_shared>>)
      %dma_wait3A_318 = arith.constant 2 : i32
      %dma_wait3A_319 = arith.constant 2 : i32
      %dma_wait3A_320 = arith.constant 0 : i32
      %dma_wait3A_321 = arith.constant 0 : i32
      %dma_wait3A_322 = tpu.memref_slice %arg5[%arg1, %dma_wait3A_319, %dma_wait3A_320, %dma_wait3A_321] : memref<4x3x8x32768xbf16, #tpu.memory_space<vmem_shared>> -> memref<1x1x8x32768xbf16, #tpu.memory_space<vmem_shared>>
      %dma_wait3A_323 = tpu.memref_squeeze %dma_wait3A_322 : memref<1x1x8x32768xbf16, #tpu.memory_space<vmem_shared>> -> memref<8x32768xbf16, #tpu.memory_space<vmem_shared>>
      %dma_wait3A_324 = arith.constant 0 : i32
      %dma_wait3A_325 = arith.constant 0 : i32
      %dma_wait3A_326 = tpu.memref_slice %arg3[%dma_wait3A_318, %dma_wait3A_324, %dma_wait3A_325] : memref<3x8x32768xbf16, #tpu.memory_space<hbm>> -> memref<1x8x32768xbf16, #tpu.memory_space<hbm>>
      %dma_wait3A_327 = tpu.memref_squeeze %dma_wait3A_326 : memref<1x8x32768xbf16, #tpu.memory_space<hbm>> -> memref<8x32768xbf16, #tpu.memory_space<hbm>>
      tpu.wait_dma2 semaphore(%arg6 : memref<!tpu.dma_semaphore, #tpu.memory_space<semaphore_mem>>) src(%dma_wait3A_327 : memref<8x32768xbf16, #tpu.memory_space<hbm>>) dst(%dma_wait3A_323 : memref<8x32768xbf16, #tpu.memory_space<vmem_shared>>)
    } else {
    }
    %barrier3A = arith.constant 0 : index
    tpu.barrier barrier_id(%barrier3A)
    %rem3A = arith.constant 4 : i32
    %rem3A_5 = arith.remsi %arg1, %rem3A : i32
    %add3A_6 = arith.constant 0 : i32
    %add3A_7 = arith.addi %multiple_of3A, %add3A_6 : i32
    %dma_start3A = arith.constant 0 : i32
    %dma_start3A_8 = arith.constant 0 : i32
    %dma_start3A_9 = arith.constant 0 : i32
    %dma_start3A_10 = tpu.memref_slice %arg4[%dma_start3A_8, %add3A_7, %dma_start3A_9] : memref<3x1024x32768xbf16, #tpu.memory_space<hbm>> -> memref<1x8x32768xbf16, #tpu.memory_space<hbm>>
    %dma_start3A_11 = tpu.memref_squeeze %dma_start3A_10 : memref<1x8x32768xbf16, #tpu.memory_space<hbm>> -> memref<8x32768xbf16, #tpu.memory_space<hbm>>
    %dma_start3A_12 = arith.constant 0 : i32
    %dma_start3A_13 = arith.constant 0 : i32
    %dma_start3A_14 = tpu.memref_slice %arg5[%rem3A_5, %dma_start3A, %dma_start3A_12, %dma_start3A_13] : memref<4x3x8x32768xbf16, #tpu.memory_space<vmem_shared>> -> memref<1x1x8x32768xbf16, #tpu.memory_space<vmem_shared>>
    %dma_start3A_15 = tpu.memref_squeeze %dma_start3A_14 : memref<1x1x8x32768xbf16, #tpu.memory_space<vmem_shared>> -> memref<8x32768xbf16, #tpu.memory_space<vmem_shared>>
    tpu.enqueue_dma source(%dma_start3A_15 : memref<8x32768xbf16, #tpu.memory_space<vmem_shared>>) target(%dma_start3A_11 : memref<8x32768xbf16, #tpu.memory_space<hbm>>) target_semaphore(%arg7 : memref<!tpu.dma_semaphore, #tpu.memory_space<semaphore_mem>>)
    %add3A_16 = arith.constant 8 : i32
    %add3A_17 = arith.addi %multiple_of3A, %add3A_16 : i32
    %dma_start3A_18 = arith.constant 0 : i32
    %dma_start3A_19 = arith.constant 0 : i32
    %dma_start3A_20 = arith.constant 0 : i32
    %dma_start3A_21 = tpu.memref_slice %arg4[%dma_start3A_19, %add3A_17, %dma_start3A_20] : memref<3x1024x32768xbf16, #tpu.memory_space<hbm>> -> memref<1x8x32768xbf16, #tpu.memory_space<hbm>>
    %dma_start3A_22 = tpu.memref_squeeze %dma_start3A_21 : memref<1x8x32768xbf16, #tpu.memory_space<hbm>> -> memref<8x32768xbf16, #tpu.memory_space<hbm>>
    %dma_start3A_23 = arith.constant 0 : i32
    %dma_start3A_24 = arith.constant 0 : i32
    %dma_start3A_25 = tpu.memref_slice %arg5[%rem3A_5, %dma_start3A_18, %dma_start3A_23, %dma_start3A_24] : memref<4x3x8x32768xbf16, #tpu.memory_space<vmem_shared>> -> memref<1x1x8x32768xbf16, #tpu.memory_space<vmem_shared>>
    %dma_start3A_26 = tpu.memref_squeeze %dma_start3A_25 : memref<1x1x8x32768xbf16, #tpu.memory_space<vmem_shared>> -> memref<8x32768xbf16, #tpu.memory_space<vmem_shared>>
    tpu.enqueue_dma source(%dma_start3A_26 : memref<8x32768xbf16, #tpu.memory_space<vmem_shared>>) target(%dma_start3A_22 : memref<8x32768xbf16, #tpu.memory_space<hbm>>) target_semaphore(%arg7 : memref<!tpu.dma_semaphore, #tpu.memory_space<semaphore_mem>>)
    %add3A_27 = arith.constant 16 : i32
    %add3A_28 = arith.addi %multiple_of3A, %add3A_27 : i32
    %dma_start3A_29 = arith.constant 0 : i32
    %dma_start3A_30 = arith.constant 0 : i32
    %dma_start3A_31 = arith.constant 0 : i32
    %dma_start3A_32 = tpu.memref_slice %arg4[%dma_start3A_30, %add3A_28, %dma_start3A_31] : memref<3x1024x32768xbf16, #tpu.memory_space<hbm>> -> memref<1x8x32768xbf16, #tpu.memory_space<hbm>>
    %dma_start3A_33 = tpu.memref_squeeze %dma_start3A_32 : memref<1x8x32768xbf16, #tpu.memory_space<hbm>> -> memref<8x32768xbf16, #tpu.memory_space<hbm>>
    %dma_start3A_34 = arith.constant 0 : i32
    %dma_start3A_35 = arith.constant 0 : i32
    %dma_start3A_36 = tpu.memref_slice %arg5[%rem3A_5, %dma_start3A_29, %dma_start3A_34, %dma_start3A_35] : memref<4x3x8x32768xbf16, #tpu.memory_space<vmem_shared>> -> memref<1x1x8x32768xbf16, #tpu.memory_space<vmem_shared>>
    %dma_start3A_37 = tpu.memref_squeeze %dma_start3A_36 : memref<1x1x8x32768xbf16, #tpu.memory_space<vmem_shared>> -> memref<8x32768xbf16, #tpu.memory_space<vmem_shared>>
    tpu.enqueue_dma source(%dma_start3A_37 : memref<8x32768xbf16, #tpu.memory_space<vmem_shared>>) target(%dma_start3A_33 : memref<8x32768xbf16, #tpu.memory_space<hbm>>) target_semaphore(%arg7 : memref<!tpu.dma_semaphore, #tpu.memory_space<semaphore_mem>>)
    %add3A_38 = arith.constant 24 : i32
    %add3A_39 = arith.addi %multiple_of3A, %add3A_38 : i32
    %dma_start3A_40 = arith.constant 0 : i32
    %dma_start3A_41 = arith.constant 0 : i32
    %dma_start3A_42 = arith.constant 0 : i32
    %dma_start3A_43 = tpu.memref_slice %arg4[%dma_start3A_41, %add3A_39, %dma_start3A_42] : memref<3x1024x32768xbf16, #tpu.memory_space<hbm>> -> memref<1x8x32768xbf16, #tpu.memory_space<hbm>>
    %dma_start3A_44 = tpu.memref_squeeze %dma_start3A_43 : memref<1x8x32768xbf16, #tpu.memory_space<hbm>> -> memref<8x32768xbf16, #tpu.memory_space<hbm>>
    %dma_start3A_45 = arith.constant 0 : i32
    %dma_start3A_46 = arith.constant 0 : i32
    %dma_start3A_47 = tpu.memref_slice %arg5[%rem3A_5, %dma_start3A_40, %dma_start3A_45, %dma_start3A_46] : memref<4x3x8x32768xbf16, #tpu.memory_space<vmem_shared>> -> memref<1x1x8x32768xbf16, #tpu.memory_space<vmem_shared>>
    %dma_start3A_48 = tpu.memref_squeeze %dma_start3A_47 : memref<1x1x8x32768xbf16, #tpu.memory_space<vmem_shared>> -> memref<8x32768xbf16, #tpu.memory_space<vmem_shared>>
    tpu.enqueue_dma source(%dma_start3A_48 : memref<8x32768xbf16, #tpu.memory_space<vmem_shared>>) target(%dma_start3A_44 : memref<8x32768xbf16, #tpu.memory_space<hbm>>) target_semaphore(%arg7 : memref<!tpu.dma_semaphore, #tpu.memory_space<semaphore_mem>>)
    %add3A_49 = arith.constant 0 : i32
    %add3A_50 = arith.addi %multiple_of3A, %add3A_49 : i32
    %dma_start3A_51 = arith.constant 1 : i32
    %dma_start3A_52 = arith.constant 1 : i32
    %dma_start3A_53 = arith.constant 0 : i32
    %dma_start3A_54 = tpu.memref_slice %arg4[%dma_start3A_52, %add3A_50, %dma_start3A_53] : memref<3x1024x32768xbf16, #tpu.memory_space<hbm>> -> memref<1x8x32768xbf16, #tpu.memory_space<hbm>>
    %dma_start3A_55 = tpu.memref_squeeze %dma_start3A_54 : memref<1x8x32768xbf16, #tpu.memory_space<hbm>> -> memref<8x32768xbf16, #tpu.memory_space<hbm>>
    %dma_start3A_56 = arith.constant 0 : i32
    %dma_start3A_57 = arith.constant 0 : i32
    %dma_start3A_58 = tpu.memref_slice %arg5[%rem3A_5, %dma_start3A_51, %dma_start3A_56, %dma_start3A_57] : memref<4x3x8x32768xbf16, #tpu.memory_space<vmem_shared>> -> memref<1x1x8x32768xbf16, #tpu.memory_space<vmem_shared>>
    %dma_start3A_59 = tpu.memref_squeeze %dma_start3A_58 : memref<1x1x8x32768xbf16, #tpu.memory_space<vmem_shared>> -> memref<8x32768xbf16, #tpu.memory_space<vmem_shared>>
    tpu.enqueue_dma source(%dma_start3A_59 : memref<8x32768xbf16, #tpu.memory_space<vmem_shared>>) target(%dma_start3A_55 : memref<8x32768xbf16, #tpu.memory_space<hbm>>) target_semaphore(%arg7 : memref<!tpu.dma_semaphore, #tpu.memory_space<semaphore_mem>>)
    %add3A_60 = arith.constant 8 : i32
    %add3A_61 = arith.addi %multiple_of3A, %add3A_60 : i32
    %dma_start3A_62 = arith.constant 1 : i32
    %dma_start3A_63 = arith.constant 1 : i32
    %dma_start3A_64 = arith.constant 0 : i32
    %dma_start3A_65 = tpu.memref_slice %arg4[%dma_start3A_63, %add3A_61, %dma_start3A_64] : memref<3x1024x32768xbf16, #tpu.memory_space<hbm>> -> memref<1x8x32768xbf16, #tpu.memory_space<hbm>>
    %dma_start3A_66 = tpu.memref_squeeze %dma_start3A_65 : memref<1x8x32768xbf16, #tpu.memory_space<hbm>> -> memref<8x32768xbf16, #tpu.memory_space<hbm>>
    %dma_start3A_67 = arith.constant 0 : i32
    %dma_start3A_68 = arith.constant 0 : i32
    %dma_start3A_69 = tpu.memref_slice %arg5[%rem3A_5, %dma_start3A_62, %dma_start3A_67, %dma_start3A_68] : memref<4x3x8x32768xbf16, #tpu.memory_space<vmem_shared>> -> memref<1x1x8x32768xbf16, #tpu.memory_space<vmem_shared>>
    %dma_start3A_70 = tpu.memref_squeeze %dma_start3A_69 : memref<1x1x8x32768xbf16, #tpu.memory_space<vmem_shared>> -> memref<8x32768xbf16, #tpu.memory_space<vmem_shared>>
    tpu.enqueue_dma source(%dma_start3A_70 : memref<8x32768xbf16, #tpu.memory_space<vmem_shared>>) target(%dma_start3A_66 : memref<8x32768xbf16, #tpu.memory_space<hbm>>) target_semaphore(%arg7 : memref<!tpu.dma_semaphore, #tpu.memory_space<semaphore_mem>>)
    %add3A_71 = arith.constant 16 : i32
    %add3A_72 = arith.addi %multiple_of3A, %add3A_71 : i32
    %dma_start3A_73 = arith.constant 1 : i32
    %dma_start3A_74 = arith.constant 1 : i32
    %dma_start3A_75 = arith.constant 0 : i32
    %dma_start3A_76 = tpu.memref_slice %arg4[%dma_start3A_74, %add3A_72, %dma_start3A_75] : memref<3x1024x32768xbf16, #tpu.memory_space<hbm>> -> memref<1x8x32768xbf16, #tpu.memory_space<hbm>>
    %dma_start3A_77 = tpu.memref_squeeze %dma_start3A_76 : memref<1x8x32768xbf16, #tpu.memory_space<hbm>> -> memref<8x32768xbf16, #tpu.memory_space<hbm>>
    %dma_start3A_78 = arith.constant 0 : i32
    %dma_start3A_79 = arith.constant 0 : i32
    %dma_start3A_80 = tpu.memref_slice %arg5[%rem3A_5, %dma_start3A_73, %dma_start3A_78, %dma_start3A_79] : memref<4x3x8x32768xbf16, #tpu.memory_space<vmem_shared>> -> memref<1x1x8x32768xbf16, #tpu.memory_space<vmem_shared>>
    %dma_start3A_81 = tpu.memref_squeeze %dma_start3A_80 : memref<1x1x8x32768xbf16, #tpu.memory_space<vmem_shared>> -> memref<8x32768xbf16, #tpu.memory_space<vmem_shared>>
    tpu.enqueue_dma source(%dma_start3A_81 : memref<8x32768xbf16, #tpu.memory_space<vmem_shared>>) target(%dma_start3A_77 : memref<8x32768xbf16, #tpu.memory_space<hbm>>) target_semaphore(%arg7 : memref<!tpu.dma_semaphore, #tpu.memory_space<semaphore_mem>>)
    %add3A_82 = arith.constant 24 : i32
    %add3A_83 = arith.addi %multiple_of3A, %add3A_82 : i32
    %dma_start3A_84 = arith.constant 1 : i32
    %dma_start3A_85 = arith.constant 1 : i32
    %dma_start3A_86 = arith.constant 0 : i32
    %dma_start3A_87 = tpu.memref_slice %arg4[%dma_start3A_85, %add3A_83, %dma_start3A_86] : memref<3x1024x32768xbf16, #tpu.memory_space<hbm>> -> memref<1x8x32768xbf16, #tpu.memory_space<hbm>>
    %dma_start3A_88 = tpu.memref_squeeze %dma_start3A_87 : memref<1x8x32768xbf16, #tpu.memory_space<hbm>> -> memref<8x32768xbf16, #tpu.memory_space<hbm>>
    %dma_start3A_89 = arith.constant 0 : i32
    %dma_start3A_90 = arith.constant 0 : i32
    %dma_start3A_91 = tpu.memref_slice %arg5[%rem3A_5, %dma_start3A_84, %dma_start3A_89, %dma_start3A_90] : memref<4x3x8x32768xbf16, #tpu.memory_space<vmem_shared>> -> memref<1x1x8x32768xbf16, #tpu.memory_space<vmem_shared>>
    %dma_start3A_92 = tpu.memref_squeeze %dma_start3A_91 : memref<1x1x8x32768xbf16, #tpu.memory_space<vmem_shared>> -> memref<8x32768xbf16, #tpu.memory_space<vmem_shared>>
    tpu.enqueue_dma source(%dma_start3A_92 : memref<8x32768xbf16, #tpu.memory_space<vmem_shared>>) target(%dma_start3A_88 : memref<8x32768xbf16, #tpu.memory_space<hbm>>) target_semaphore(%arg7 : memref<!tpu.dma_semaphore, #tpu.memory_space<semaphore_mem>>)
    %add3A_93 = arith.constant 0 : i32
    %add3A_94 = arith.addi %multiple_of3A, %add3A_93 : i32
    %dma_start3A_95 = arith.constant 2 : i32
    %dma_start3A_96 = arith.constant 2 : i32
    %dma_start3A_97 = arith.constant 0 : i32
    %dma_start3A_98 = tpu.memref_slice %arg4[%dma_start3A_96, %add3A_94, %dma_start3A_97] : memref<3x1024x32768xbf16, #tpu.memory_space<hbm>> -> memref<1x8x32768xbf16, #tpu.memory_space<hbm>>
    %dma_start3A_99 = tpu.memref_squeeze %dma_start3A_98 : memref<1x8x32768xbf16, #tpu.memory_space<hbm>> -> memref<8x32768xbf16, #tpu.memory_space<hbm>>
    %dma_start3A_100 = arith.constant 0 : i32
    %dma_start3A_101 = arith.constant 0 : i32
    %dma_start3A_102 = tpu.memref_slice %arg5[%rem3A_5, %dma_start3A_95, %dma_start3A_100, %dma_start3A_101] : memref<4x3x8x32768xbf16, #tpu.memory_space<vmem_shared>> -> memref<1x1x8x32768xbf16, #tpu.memory_space<vmem_shared>>
    %dma_start3A_103 = tpu.memref_squeeze %dma_start3A_102 : memref<1x1x8x32768xbf16, #tpu.memory_space<vmem_shared>> -> memref<8x32768xbf16, #tpu.memory_space<vmem_shared>>
    tpu.enqueue_dma source(%dma_start3A_103 : memref<8x32768xbf16, #tpu.memory_space<vmem_shared>>) target(%dma_start3A_99 : memref<8x32768xbf16, #tpu.memory_space<hbm>>) target_semaphore(%arg7 : memref<!tpu.dma_semaphore, #tpu.memory_space<semaphore_mem>>)
    %add3A_104 = arith.constant 8 : i32
    %add3A_105 = arith.addi %multiple_of3A, %add3A_104 : i32
    %dma_start3A_106 = arith.constant 2 : i32
    %dma_start3A_107 = arith.constant 2 : i32
    %dma_start3A_108 = arith.constant 0 : i32
    %dma_start3A_109 = tpu.memref_slice %arg4[%dma_start3A_107, %add3A_105, %dma_start3A_108] : memref<3x1024x32768xbf16, #tpu.memory_space<hbm>> -> memref<1x8x32768xbf16, #tpu.memory_space<hbm>>
    %dma_start3A_110 = tpu.memref_squeeze %dma_start3A_109 : memref<1x8x32768xbf16, #tpu.memory_space<hbm>> -> memref<8x32768xbf16, #tpu.memory_space<hbm>>
    %dma_start3A_111 = arith.constant 0 : i32
    %dma_start3A_112 = arith.constant 0 : i32
    %dma_start3A_113 = tpu.memref_slice %arg5[%rem3A_5, %dma_start3A_106, %dma_start3A_111, %dma_start3A_112] : memref<4x3x8x32768xbf16, #tpu.memory_space<vmem_shared>> -> memref<1x1x8x32768xbf16, #tpu.memory_space<vmem_shared>>
    %dma_start3A_114 = tpu.memref_squeeze %dma_start3A_113 : memref<1x1x8x32768xbf16, #tpu.memory_space<vmem_shared>> -> memref<8x32768xbf16, #tpu.memory_space<vmem_shared>>
    tpu.enqueue_dma source(%dma_start3A_114 : memref<8x32768xbf16, #tpu.memory_space<vmem_shared>>) target(%dma_start3A_110 : memref<8x32768xbf16, #tpu.memory_space<hbm>>) target_semaphore(%arg7 : memref<!tpu.dma_semaphore, #tpu.memory_space<semaphore_mem>>)
    %add3A_115 = arith.constant 16 : i32
    %add3A_116 = arith.addi %multiple_of3A, %add3A_115 : i32
    %dma_start3A_117 = arith.constant 2 : i32
    %dma_start3A_118 = arith.constant 2 : i32
    %dma_start3A_119 = arith.constant 0 : i32
    %dma_start3A_120 = tpu.memref_slice %arg4[%dma_start3A_118, %add3A_116, %dma_start3A_119] : memref<3x1024x32768xbf16, #tpu.memory_space<hbm>> -> memref<1x8x32768xbf16, #tpu.memory_space<hbm>>
    %dma_start3A_121 = tpu.memref_squeeze %dma_start3A_120 : memref<1x8x32768xbf16, #tpu.memory_space<hbm>> -> memref<8x32768xbf16, #tpu.memory_space<hbm>>
    %dma_start3A_122 = arith.constant 0 : i32
    %dma_start3A_123 = arith.constant 0 : i32
    %dma_start3A_124 = tpu.memref_slice %arg5[%rem3A_5, %dma_start3A_117, %dma_start3A_122, %dma_start3A_123] : memref<4x3x8x32768xbf16, #tpu.memory_space<vmem_shared>> -> memref<1x1x8x32768xbf16, #tpu.memory_space<vmem_shared>>
    %dma_start3A_125 = tpu.memref_squeeze %dma_start3A_124 : memref<1x1x8x32768xbf16, #tpu.memory_space<vmem_shared>> -> memref<8x32768xbf16, #tpu.memory_space<vmem_shared>>
    tpu.enqueue_dma source(%dma_start3A_125 : memref<8x32768xbf16, #tpu.memory_space<vmem_shared>>) target(%dma_start3A_121 : memref<8x32768xbf16, #tpu.memory_space<hbm>>) target_semaphore(%arg7 : memref<!tpu.dma_semaphore, #tpu.memory_space<semaphore_mem>>)
    %add3A_126 = arith.constant 24 : i32
    %add3A_127 = arith.addi %multiple_of3A, %add3A_126 : i32
    %dma_start3A_128 = arith.constant 2 : i32
    %dma_start3A_129 = arith.constant 2 : i32
    %dma_start3A_130 = arith.constant 0 : i32
    %dma_start3A_131 = tpu.memref_slice %arg4[%dma_start3A_129, %add3A_127, %dma_start3A_130] : memref<3x1024x32768xbf16, #tpu.memory_space<hbm>> -> memref<1x8x32768xbf16, #tpu.memory_space<hbm>>
    %dma_start3A_132 = tpu.memref_squeeze %dma_start3A_131 : memref<1x8x32768xbf16, #tpu.memory_space<hbm>> -> memref<8x32768xbf16, #tpu.memory_space<hbm>>
    %dma_start3A_133 = arith.constant 0 : i32
    %dma_start3A_134 = arith.constant 0 : i32
    %dma_start3A_135 = tpu.memref_slice %arg5[%rem3A_5, %dma_start3A_128, %dma_start3A_133, %dma_start3A_134] : memref<4x3x8x32768xbf16, #tpu.memory_space<vmem_shared>> -> memref<1x1x8x32768xbf16, #tpu.memory_space<vmem_shared>>
    %dma_start3A_136 = tpu.memref_squeeze %dma_start3A_135 : memref<1x1x8x32768xbf16, #tpu.memory_space<vmem_shared>> -> memref<8x32768xbf16, #tpu.memory_space<vmem_shared>>
    tpu.enqueue_dma source(%dma_start3A_136 : memref<8x32768xbf16, #tpu.memory_space<vmem_shared>>) target(%dma_start3A_132 : memref<8x32768xbf16, #tpu.memory_space<hbm>>) target_semaphore(%arg7 : memref<!tpu.dma_semaphore, #tpu.memory_space<semaphore_mem>>)
    %add3A_137 = arith.constant 0 : i32
    %add3A_138 = arith.addi %multiple_of3A, %add3A_137 : i32
    %dma_wait3A = arith.constant 0 : i32
    %dma_wait3A_139 = arith.constant 0 : i32
    %dma_wait3A_140 = arith.constant 0 : i32
    %dma_wait3A_141 = tpu.memref_slice %arg4[%dma_wait3A_139, %add3A_138, %dma_wait3A_140] : memref<3x1024x32768xbf16, #tpu.memory_space<hbm>> -> memref<1x8x32768xbf16, #tpu.memory_space<hbm>>
    %dma_wait3A_142 = tpu.memref_squeeze %dma_wait3A_141 : memref<1x8x32768xbf16, #tpu.memory_space<hbm>> -> memref<8x32768xbf16, #tpu.memory_space<hbm>>
    %dma_wait3A_143 = arith.constant 0 : i32
    %dma_wait3A_144 = arith.constant 0 : i32
    %dma_wait3A_145 = tpu.memref_slice %arg5[%rem3A_5, %dma_wait3A, %dma_wait3A_143, %dma_wait3A_144] : memref<4x3x8x32768xbf16, #tpu.memory_space<vmem_shared>> -> memref<1x1x8x32768xbf16, #tpu.memory_space<vmem_shared>>
    %dma_wait3A_146 = tpu.memref_squeeze %dma_wait3A_145 : memref<1x1x8x32768xbf16, #tpu.memory_space<vmem_shared>> -> memref<8x32768xbf16, #tpu.memory_space<vmem_shared>>
    tpu.wait_dma2 semaphore(%arg7 : memref<!tpu.dma_semaphore, #tpu.memory_space<semaphore_mem>>) src(%dma_wait3A_146 : memref<8x32768xbf16, #tpu.memory_space<vmem_shared>>) dst(%dma_wait3A_142 : memref<8x32768xbf16, #tpu.memory_space<hbm>>)
    %add3A_147 = arith.constant 8 : i32
    %add3A_148 = arith.addi %multiple_of3A, %add3A_147 : i32
    %dma_wait3A_149 = arith.constant 0 : i32
    %dma_wait3A_150 = arith.constant 0 : i32
    %dma_wait3A_151 = arith.constant 0 : i32
    %dma_wait3A_152 = tpu.memref_slice %arg4[%dma_wait3A_150, %add3A_148, %dma_wait3A_151] : memref<3x1024x32768xbf16, #tpu.memory_space<hbm>> -> memref<1x8x32768xbf16, #tpu.memory_space<hbm>>
    %dma_wait3A_153 = tpu.memref_squeeze %dma_wait3A_152 : memref<1x8x32768xbf16, #tpu.memory_space<hbm>> -> memref<8x32768xbf16, #tpu.memory_space<hbm>>
    %dma_wait3A_154 = arith.constant 0 : i32
    %dma_wait3A_155 = arith.constant 0 : i32
    %dma_wait3A_156 = tpu.memref_slice %arg5[%rem3A_5, %dma_wait3A_149, %dma_wait3A_154, %dma_wait3A_155] : memref<4x3x8x32768xbf16, #tpu.memory_space<vmem_shared>> -> memref<1x1x8x32768xbf16, #tpu.memory_space<vmem_shared>>
    %dma_wait3A_157 = tpu.memref_squeeze %dma_wait3A_156 : memref<1x1x8x32768xbf16, #tpu.memory_space<vmem_shared>> -> memref<8x32768xbf16, #tpu.memory_space<vmem_shared>>
    tpu.wait_dma2 semaphore(%arg7 : memref<!tpu.dma_semaphore, #tpu.memory_space<semaphore_mem>>) src(%dma_wait3A_157 : memref<8x32768xbf16, #tpu.memory_space<vmem_shared>>) dst(%dma_wait3A_153 : memref<8x32768xbf16, #tpu.memory_space<hbm>>)
    %add3A_158 = arith.constant 16 : i32
    %add3A_159 = arith.addi %multiple_of3A, %add3A_158 : i32
    %dma_wait3A_160 = arith.constant 0 : i32
    %dma_wait3A_161 = arith.constant 0 : i32
    %dma_wait3A_162 = arith.constant 0 : i32
    %dma_wait3A_163 = tpu.memref_slice %arg4[%dma_wait3A_161, %add3A_159, %dma_wait3A_162] : memref<3x1024x32768xbf16, #tpu.memory_space<hbm>> -> memref<1x8x32768xbf16, #tpu.memory_space<hbm>>
    %dma_wait3A_164 = tpu.memref_squeeze %dma_wait3A_163 : memref<1x8x32768xbf16, #tpu.memory_space<hbm>> -> memref<8x32768xbf16, #tpu.memory_space<hbm>>
    %dma_wait3A_165 = arith.constant 0 : i32
    %dma_wait3A_166 = arith.constant 0 : i32
    %dma_wait3A_167 = tpu.memref_slice %arg5[%rem3A_5, %dma_wait3A_160, %dma_wait3A_165, %dma_wait3A_166] : memref<4x3x8x32768xbf16, #tpu.memory_space<vmem_shared>> -> memref<1x1x8x32768xbf16, #tpu.memory_space<vmem_shared>>
    %dma_wait3A_168 = tpu.memref_squeeze %dma_wait3A_167 : memref<1x1x8x32768xbf16, #tpu.memory_space<vmem_shared>> -> memref<8x32768xbf16, #tpu.memory_space<vmem_shared>>
    tpu.wait_dma2 semaphore(%arg7 : memref<!tpu.dma_semaphore, #tpu.memory_space<semaphore_mem>>) src(%dma_wait3A_168 : memref<8x32768xbf16, #tpu.memory_space<vmem_shared>>) dst(%dma_wait3A_164 : memref<8x32768xbf16, #tpu.memory_space<hbm>>)
    %add3A_169 = arith.constant 24 : i32
    %add3A_170 = arith.addi %multiple_of3A, %add3A_169 : i32
    %dma_wait3A_171 = arith.constant 0 : i32
    %dma_wait3A_172 = arith.constant 0 : i32
    %dma_wait3A_173 = arith.constant 0 : i32
    %dma_wait3A_174 = tpu.memref_slice %arg4[%dma_wait3A_172, %add3A_170, %dma_wait3A_173] : memref<3x1024x32768xbf16, #tpu.memory_space<hbm>> -> memref<1x8x32768xbf16, #tpu.memory_space<hbm>>
    %dma_wait3A_175 = tpu.memref_squeeze %dma_wait3A_174 : memref<1x8x32768xbf16, #tpu.memory_space<hbm>> -> memref<8x32768xbf16, #tpu.memory_space<hbm>>
    %dma_wait3A_176 = arith.constant 0 : i32
    %dma_wait3A_177 = arith.constant 0 : i32
    %dma_wait3A_178 = tpu.memref_slice %arg5[%rem3A_5, %dma_wait3A_171, %dma_wait3A_176, %dma_wait3A_177] : memref<4x3x8x32768xbf16, #tpu.memory_space<vmem_shared>> -> memref<1x1x8x32768xbf16, #tpu.memory_space<vmem_shared>>
    %dma_wait3A_179 = tpu.memref_squeeze %dma_wait3A_178 : memref<1x1x8x32768xbf16, #tpu.memory_space<vmem_shared>> -> memref<8x32768xbf16, #tpu.memory_space<vmem_shared>>
    tpu.wait_dma2 semaphore(%arg7 : memref<!tpu.dma_semaphore, #tpu.memory_space<semaphore_mem>>) src(%dma_wait3A_179 : memref<8x32768xbf16, #tpu.memory_space<vmem_shared>>) dst(%dma_wait3A_175 : memref<8x32768xbf16, #tpu.memory_space<hbm>>)
    %add3A_180 = arith.constant 0 : i32
    %add3A_181 = arith.addi %multiple_of3A, %add3A_180 : i32
    %dma_wait3A_182 = arith.constant 1 : i32
    %dma_wait3A_183 = arith.constant 1 : i32
    %dma_wait3A_184 = arith.constant 0 : i32
    %dma_wait3A_185 = tpu.memref_slice %arg4[%dma_wait3A_183, %add3A_181, %dma_wait3A_184] : memref<3x1024x32768xbf16, #tpu.memory_space<hbm>> -> memref<1x8x32768xbf16, #tpu.memory_space<hbm>>
    %dma_wait3A_186 = tpu.memref_squeeze %dma_wait3A_185 : memref<1x8x32768xbf16, #tpu.memory_space<hbm>> -> memref<8x32768xbf16, #tpu.memory_space<hbm>>
    %dma_wait3A_187 = arith.constant 0 : i32
    %dma_wait3A_188 = arith.constant 0 : i32
    %dma_wait3A_189 = tpu.memref_slice %arg5[%rem3A_5, %dma_wait3A_182, %dma_wait3A_187, %dma_wait3A_188] : memref<4x3x8x32768xbf16, #tpu.memory_space<vmem_shared>> -> memref<1x1x8x32768xbf16, #tpu.memory_space<vmem_shared>>
    %dma_wait3A_190 = tpu.memref_squeeze %dma_wait3A_189 : memref<1x1x8x32768xbf16, #tpu.memory_space<vmem_shared>> -> memref<8x32768xbf16, #tpu.memory_space<vmem_shared>>
    tpu.wait_dma2 semaphore(%arg7 : memref<!tpu.dma_semaphore, #tpu.memory_space<semaphore_mem>>) src(%dma_wait3A_190 : memref<8x32768xbf16, #tpu.memory_space<vmem_shared>>) dst(%dma_wait3A_186 : memref<8x32768xbf16, #tpu.memory_space<hbm>>)
    %add3A_191 = arith.constant 8 : i32
    %add3A_192 = arith.addi %multiple_of3A, %add3A_191 : i32
    %dma_wait3A_193 = arith.constant 1 : i32
    %dma_wait3A_194 = arith.constant 1 : i32
    %dma_wait3A_195 = arith.constant 0 : i32
    %dma_wait3A_196 = tpu.memref_slice %arg4[%dma_wait3A_194, %add3A_192, %dma_wait3A_195] : memref<3x1024x32768xbf16, #tpu.memory_space<hbm>> -> memref<1x8x32768xbf16, #tpu.memory_space<hbm>>
    %dma_wait3A_197 = tpu.memref_squeeze %dma_wait3A_196 : memref<1x8x32768xbf16, #tpu.memory_space<hbm>> -> memref<8x32768xbf16, #tpu.memory_space<hbm>>
    %dma_wait3A_198 = arith.constant 0 : i32
    %dma_wait3A_199 = arith.constant 0 : i32
    %dma_wait3A_200 = tpu.memref_slice %arg5[%rem3A_5, %dma_wait3A_193, %dma_wait3A_198, %dma_wait3A_199] : memref<4x3x8x32768xbf16, #tpu.memory_space<vmem_shared>> -> memref<1x1x8x32768xbf16, #tpu.memory_space<vmem_shared>>
    %dma_wait3A_201 = tpu.memref_squeeze %dma_wait3A_200 : memref<1x1x8x32768xbf16, #tpu.memory_space<vmem_shared>> -> memref<8x32768xbf16, #tpu.memory_space<vmem_shared>>
    tpu.wait_dma2 semaphore(%arg7 : memref<!tpu.dma_semaphore, #tpu.memory_space<semaphore_mem>>) src(%dma_wait3A_201 : memref<8x32768xbf16, #tpu.memory_space<vmem_shared>>) dst(%dma_wait3A_197 : memref<8x32768xbf16, #tpu.memory_space<hbm>>)
    %add3A_202 = arith.constant 16 : i32
    %add3A_203 = arith.addi %multiple_of3A, %add3A_202 : i32
    %dma_wait3A_204 = arith.constant 1 : i32
    %dma_wait3A_205 = arith.constant 1 : i32
    %dma_wait3A_206 = arith.constant 0 : i32
    %dma_wait3A_207 = tpu.memref_slice %arg4[%dma_wait3A_205, %add3A_203, %dma_wait3A_206] : memref<3x1024x32768xbf16, #tpu.memory_space<hbm>> -> memref<1x8x32768xbf16, #tpu.memory_space<hbm>>
    %dma_wait3A_208 = tpu.memref_squeeze %dma_wait3A_207 : memref<1x8x32768xbf16, #tpu.memory_space<hbm>> -> memref<8x32768xbf16, #tpu.memory_space<hbm>>
    %dma_wait3A_209 = arith.constant 0 : i32
    %dma_wait3A_210 = arith.constant 0 : i32
    %dma_wait3A_211 = tpu.memref_slice %arg5[%rem3A_5, %dma_wait3A_204, %dma_wait3A_209, %dma_wait3A_210] : memref<4x3x8x32768xbf16, #tpu.memory_space<vmem_shared>> -> memref<1x1x8x32768xbf16, #tpu.memory_space<vmem_shared>>
    %dma_wait3A_212 = tpu.memref_squeeze %dma_wait3A_211 : memref<1x1x8x32768xbf16, #tpu.memory_space<vmem_shared>> -> memref<8x32768xbf16, #tpu.memory_space<vmem_shared>>
    tpu.wait_dma2 semaphore(%arg7 : memref<!tpu.dma_semaphore, #tpu.memory_space<semaphore_mem>>) src(%dma_wait3A_212 : memref<8x32768xbf16, #tpu.memory_space<vmem_shared>>) dst(%dma_wait3A_208 : memref<8x32768xbf16, #tpu.memory_space<hbm>>)
    %add3A_213 = arith.constant 24 : i32
    %add3A_214 = arith.addi %multiple_of3A, %add3A_213 : i32
    %dma_wait3A_215 = arith.constant 1 : i32
    %dma_wait3A_216 = arith.constant 1 : i32
    %dma_wait3A_217 = arith.constant 0 : i32
    %dma_wait3A_218 = tpu.memref_slice %arg4[%dma_wait3A_216, %add3A_214, %dma_wait3A_217] : memref<3x1024x32768xbf16, #tpu.memory_space<hbm>> -> memref<1x8x32768xbf16, #tpu.memory_space<hbm>>
    %dma_wait3A_219 = tpu.memref_squeeze %dma_wait3A_218 : memref<1x8x32768xbf16, #tpu.memory_space<hbm>> -> memref<8x32768xbf16, #tpu.memory_space<hbm>>
    %dma_wait3A_220 = arith.constant 0 : i32
    %dma_wait3A_221 = arith.constant 0 : i32
    %dma_wait3A_222 = tpu.memref_slice %arg5[%rem3A_5, %dma_wait3A_215, %dma_wait3A_220, %dma_wait3A_221] : memref<4x3x8x32768xbf16, #tpu.memory_space<vmem_shared>> -> memref<1x1x8x32768xbf16, #tpu.memory_space<vmem_shared>>
    %dma_wait3A_223 = tpu.memref_squeeze %dma_wait3A_222 : memref<1x1x8x32768xbf16, #tpu.memory_space<vmem_shared>> -> memref<8x32768xbf16, #tpu.memory_space<vmem_shared>>
    tpu.wait_dma2 semaphore(%arg7 : memref<!tpu.dma_semaphore, #tpu.memory_space<semaphore_mem>>) src(%dma_wait3A_223 : memref<8x32768xbf16, #tpu.memory_space<vmem_shared>>) dst(%dma_wait3A_219 : memref<8x32768xbf16, #tpu.memory_space<hbm>>)
    %add3A_224 = arith.constant 0 : i32
    %add3A_225 = arith.addi %multiple_of3A, %add3A_224 : i32
    %dma_wait3A_226 = arith.constant 2 : i32
    %dma_wait3A_227 = arith.constant 2 : i32
    %dma_wait3A_228 = arith.constant 0 : i32
    %dma_wait3A_229 = tpu.memref_slice %arg4[%dma_wait3A_227, %add3A_225, %dma_wait3A_228] : memref<3x1024x32768xbf16, #tpu.memory_space<hbm>> -> memref<1x8x32768xbf16, #tpu.memory_space<hbm>>
    %dma_wait3A_230 = tpu.memref_squeeze %dma_wait3A_229 : memref<1x8x32768xbf16, #tpu.memory_space<hbm>> -> memref<8x32768xbf16, #tpu.memory_space<hbm>>
    %dma_wait3A_231 = arith.constant 0 : i32
    %dma_wait3A_232 = arith.constant 0 : i32
    %dma_wait3A_233 = tpu.memref_slice %arg5[%rem3A_5, %dma_wait3A_226, %dma_wait3A_231, %dma_wait3A_232] : memref<4x3x8x32768xbf16, #tpu.memory_space<vmem_shared>> -> memref<1x1x8x32768xbf16, #tpu.memory_space<vmem_shared>>
    %dma_wait3A_234 = tpu.memref_squeeze %dma_wait3A_233 : memref<1x1x8x32768xbf16, #tpu.memory_space<vmem_shared>> -> memref<8x32768xbf16, #tpu.memory_space<vmem_shared>>
    tpu.wait_dma2 semaphore(%arg7 : memref<!tpu.dma_semaphore, #tpu.memory_space<semaphore_mem>>) src(%dma_wait3A_234 : memref<8x32768xbf16, #tpu.memory_space<vmem_shared>>) dst(%dma_wait3A_230 : memref<8x32768xbf16, #tpu.memory_space<hbm>>)
    %add3A_235 = arith.constant 8 : i32
    %add3A_236 = arith.addi %multiple_of3A, %add3A_235 : i32
    %dma_wait3A_237 = arith.constant 2 : i32
    %dma_wait3A_238 = arith.constant 2 : i32
    %dma_wait3A_239 = arith.constant 0 : i32
    %dma_wait3A_240 = tpu.memref_slice %arg4[%dma_wait3A_238, %add3A_236, %dma_wait3A_239] : memref<3x1024x32768xbf16, #tpu.memory_space<hbm>> -> memref<1x8x32768xbf16, #tpu.memory_space<hbm>>
    %dma_wait3A_241 = tpu.memref_squeeze %dma_wait3A_240 : memref<1x8x32768xbf16, #tpu.memory_space<hbm>> -> memref<8x32768xbf16, #tpu.memory_space<hbm>>
    %dma_wait3A_242 = arith.constant 0 : i32
    %dma_wait3A_243 = arith.constant 0 : i32
    %dma_wait3A_244 = tpu.memref_slice %arg5[%rem3A_5, %dma_wait3A_237, %dma_wait3A_242, %dma_wait3A_243] : memref<4x3x8x32768xbf16, #tpu.memory_space<vmem_shared>> -> memref<1x1x8x32768xbf16, #tpu.memory_space<vmem_shared>>
    %dma_wait3A_245 = tpu.memref_squeeze %dma_wait3A_244 : memref<1x1x8x32768xbf16, #tpu.memory_space<vmem_shared>> -> memref<8x32768xbf16, #tpu.memory_space<vmem_shared>>
    tpu.wait_dma2 semaphore(%arg7 : memref<!tpu.dma_semaphore, #tpu.memory_space<semaphore_mem>>) src(%dma_wait3A_245 : memref<8x32768xbf16, #tpu.memory_space<vmem_shared>>) dst(%dma_wait3A_241 : memref<8x32768xbf16, #tpu.memory_space<hbm>>)
    %add3A_246 = arith.constant 16 : i32
    %add3A_247 = arith.addi %multiple_of3A, %add3A_246 : i32
    %dma_wait3A_248 = arith.constant 2 : i32
    %dma_wait3A_249 = arith.constant 2 : i32
    %dma_wait3A_250 = arith.constant 0 : i32
    %dma_wait3A_251 = tpu.memref_slice %arg4[%dma_wait3A_249, %add3A_247, %dma_wait3A_250] : memref<3x1024x32768xbf16, #tpu.memory_space<hbm>> -> memref<1x8x32768xbf16, #tpu.memory_space<hbm>>
    %dma_wait3A_252 = tpu.memref_squeeze %dma_wait3A_251 : memref<1x8x32768xbf16, #tpu.memory_space<hbm>> -> memref<8x32768xbf16, #tpu.memory_space<hbm>>
    %dma_wait3A_253 = arith.constant 0 : i32
    %dma_wait3A_254 = arith.constant 0 : i32
    %dma_wait3A_255 = tpu.memref_slice %arg5[%rem3A_5, %dma_wait3A_248, %dma_wait3A_253, %dma_wait3A_254] : memref<4x3x8x32768xbf16, #tpu.memory_space<vmem_shared>> -> memref<1x1x8x32768xbf16, #tpu.memory_space<vmem_shared>>
    %dma_wait3A_256 = tpu.memref_squeeze %dma_wait3A_255 : memref<1x1x8x32768xbf16, #tpu.memory_space<vmem_shared>> -> memref<8x32768xbf16, #tpu.memory_space<vmem_shared>>
    tpu.wait_dma2 semaphore(%arg7 : memref<!tpu.dma_semaphore, #tpu.memory_space<semaphore_mem>>) src(%dma_wait3A_256 : memref<8x32768xbf16, #tpu.memory_space<vmem_shared>>) dst(%dma_wait3A_252 : memref<8x32768xbf16, #tpu.memory_space<hbm>>)
    %add3A_257 = arith.constant 24 : i32
    %add3A_258 = arith.addi %multiple_of3A, %add3A_257 : i32
    %dma_wait3A_259 = arith.constant 2 : i32
    %dma_wait3A_260 = arith.constant 2 : i32
    %dma_wait3A_261 = arith.constant 0 : i32
    %dma_wait3A_262 = tpu.memref_slice %arg4[%dma_wait3A_260, %add3A_258, %dma_wait3A_261] : memref<3x1024x32768xbf16, #tpu.memory_space<hbm>> -> memref<1x8x32768xbf16, #tpu.memory_space<hbm>>
    %dma_wait3A_263 = tpu.memref_squeeze %dma_wait3A_262 : memref<1x8x32768xbf16, #tpu.memory_space<hbm>> -> memref<8x32768xbf16, #tpu.memory_space<hbm>>
    %dma_wait3A_264 = arith.constant 0 : i32
    %dma_wait3A_265 = arith.constant 0 : i32
    %dma_wait3A_266 = tpu.memref_slice %arg5[%rem3A_5, %dma_wait3A_259, %dma_wait3A_264, %dma_wait3A_265] : memref<4x3x8x32768xbf16, #tpu.memory_space<vmem_shared>> -> memref<1x1x8x32768xbf16, #tpu.memory_space<vmem_shared>>
    %dma_wait3A_267 = tpu.memref_squeeze %dma_wait3A_266 : memref<1x1x8x32768xbf16, #tpu.memory_space<vmem_shared>> -> memref<8x32768xbf16, #tpu.memory_space<vmem_shared>>
    tpu.wait_dma2 semaphore(%arg7 : memref<!tpu.dma_semaphore, #tpu.memory_space<semaphore_mem>>) src(%dma_wait3A_267 : memref<8x32768xbf16, #tpu.memory_space<vmem_shared>>) dst(%dma_wait3A_263 : memref<8x32768xbf16, #tpu.memory_space<hbm>>)
    return
  }
}

</mosaic_0001>

<sc_bundles>
// kernel: kernel.3.cloned.1.call-start
scs
__scs_entry_jumppad:
0x0: {  	(pc) =	sbr.rel $0x88, $3  }
0x1: {  	(tag) =	ssettag $0x0;
	lr =	simm.s32 $0x1  }
0x2: {  	[smem:$0x3F9F] =	sst lr;
	_ =	strace $0xD0000000  }
0x3: {  	_ = 	snop  }
0x4: {  	_ = 	snop  }
0x5: {  	_ = 	snop  }
0x6: {  	_ = 	snop  }
0x7: {  	_ = 	snop  }
__scs_overlays_trampoline_lowered:
0x8: {  	[smem:$0x3FAE] =	sst s0  }
0x9: {  	[smem:$0x3FAF] =	sst s1  }
0xa: {  	[smem:$0x3FB0] =	sst s2  }
0xb: {  	[smem:$0x3FB1] =	sst s3  }
0xc: {  	[smem:$0x3FB2] =	sst s4  }
0xd: {  	[smem:$0x3FB3] =	sst s5  }
0xe: {  	[smem:$0x3FB4] =	sst s6  }
0xf: {  	[smem:$0x3FB5] =	sst s7  }
0x10: {  	[smem:$0x3FB6] =	sst s8  }
0x11: {  	[smem:$0x3FB7] =	sst s9;
	s0 =	simm.s32 @!p0 $0x0  }
0x12: {  	s1 =	sld [smem:$0x3F9D];
	s0 =	simm.s32 @p0 $0x1  }
0x13: {  	[smem:$0x3FB8] =	sst s0;
	s0 =	simm.s32 @!p1 $0x0  }
0x14: {  	s2 =	sld [smem:$0x3F9C];
	s0 =	simm.s32 @p1 $0x1  }
0x15: {  	[smem:$0x3FB9] =	sst s0;
	s0 =	simm.s32 @!p2 $0x0  }
0x16: {  	s3 =	sld [smem:$0x3FDB];
	s0 =	simm.s32 @p2 $0x1  }
0x17: {  	s4 =	simm.s32 $0x1BF5;
	[smem:$0x3FBB] =	sst s0  }
0x18: {  	s0 =	sld [smem:$0x3F9E];
	_ =	swait.ge [sflag:s4], $0x0  }
0x19: {  	s7 =	sld [smem:$0x3F9F]  }
0x1a: {  	s8 =	sadd.s32 $0xFFFFE003, lr  }
0x1b: {  	s9 =	sadd.s32 $0xFFFFFEF7, lr;
	s5 =	simm.s32 $0xFFFFFFFF;
	p2 =	slt.u32 s8, $0xFFFFF086  }
0x1c: {  	p1 =	slt.u32 s9, $0xF7A;
	s5 =	simm.s32 @!p2 $0x0  }
0x1d: {  	s5 =	simm.s32 @p1 $0x1;
	p0 =	seq.s32 s7, s2  }
0x1e: {  	s7 =	smul.u32 @!p0 $0xF7A, s2;
	p2 =	seq.s32 @!p0 s5, $0x0  }
0x1f: {  	s9 =	smul.u32 $0xF7A, s1;
	s8 =	simm.s32 @!p0 $0x1BF5;
	p2 =	por !p2, p0  }
0x20: {  	[sflag:s8] =	ssyncset.s32 @!p0 $0xFFFFF086;
	s6 =	sadd.s32 @!p0 s3, s7;
	s7 =	simm.s32 @!p0 $0x108  }
0x21: {  	s3 =	sadd.s32 s3, s9;
	s6 =	sadd.s32 @!p0 $0x88, s6;
	s7 =	simm.s32 @p2 $0x1082  }
0x22: {  	[simem:s7], [sflag:s8] =	dma.local @!p0 [hbm:s6], $0xF7A  }
0x23: {  	s9 =	sor.u32 $0xD0000000, s2;
	s6 =	simm.s32 $0x108;
	_ =	swait.ge @!p0 [sflag:s8], $0x0  }
0x24: {  	s3 =	sadd.s32 $0x88, s3;
	s6 =	simm.s32 @!p1 $0x1082;
	[sflag:s4] =	ssyncset.s32 $0xFFFFF086  }
0x25: {  	[simem:s6], [sflag:s4] =	dma.local [hbm:s3], $0xF7A  }
0x26: {  	[smem:$0x3F9F] =	sst s1;
	(tag) =	ssettag s2;
	_ =	strace s9  }
0x27: {  	s1 =	sld [smem:$0x3FAF]  }
0x28: {  	s2 =	sld [smem:$0x3FB0]  }
0x29: {  	s4 =	sld [smem:$0x3FB2]  }
0x2a: {  	p0 =	seq.s32 s5, $0x0;
	s5 =	sld [smem:$0x3FB3]  }
0x2b: {  	s6 =	sld [smem:$0x3FB4]  }
0x2c: {  	s7 =	sld [smem:$0x3FB5]  }
0x2d: {  	s3 =	simm.s32 $0x108;
	s8 =	sld [smem:$0x3FB6]  }
0x2e: {  	s3 =	simm.s32 @!p0 $0x1082;
	s9 =	sld [smem:$0x3FB7]  }
0x2f: {  	lr =	sadd.s32 s0, s3;
	s0 =	sld [smem:$0x3FAE]  }
0x30: {  	s3 =	sld [smem:$0x3FB1]  }
0x31: {  	[smem:$0x3FBA] =	sst s10  }
0x32: {  	s10 =	sld [smem:$0x3FB8];
	_ =	sdelay $0x3  }
0x33: {  	p0 =	seq.s32 s10, $0x1;
	s10 =	sld [smem:$0x3FBA];
	_ =	sdelay $0x3  }
0x34: {  	[smem:$0x3FBA] =	sst s10  }
0x35: {  	s10 =	sld [smem:$0x3FB9];
	_ =	sdelay $0x3  }
0x36: {  	p1 =	seq.s32 s10, $0x1;
	s10 =	sld [smem:$0x3FBA];
	_ =	sdelay $0x3  }
0x37: {  	[smem:$0x3FBA] =	sst s10  }
0x38: {  	s10 =	sld [smem:$0x3FBB]  }
0x39: {  	_ = 	snop;
	(pc) =	sbr.ind lr, $3  }
0x3a: {  	_ = 	snop  }
0x3b: {  	_ = 	snop  }
0x3c: {  	p2 =	seq.s32 s10, $0x1;
	s10 =	sld [smem:$0x3FBA]  }
0x3d: {  	_ =	shalt  }
0x3e: {  	_ =	shalt  }
0x3f: {  	_ =	shalt  }
0x40: {  	_ =	shalt  }
0x41: {  	_ =	shalt  }
0x42: {  	_ =	shalt  }
0x43: {  	_ =	shalt  }
0x44: {  	_ =	shalt  }
0x45: {  	_ =	shalt  }
0x46: {  	_ =	shalt  }
0x47: {  	_ =	shalt  }
0x48: {  	_ =	shalt  }
0x49: {  	_ =	shalt  }
0x4a: {  	_ =	shalt  }
0x4b: {  	_ =	shalt  }
0x4c: {  	_ =	shalt  }
0x4d: {  	_ =	shalt  }
0x4e: {  	_ =	shalt  }
0x4f: {  	_ =	shalt  }
0x50: {  	_ =	shalt  }
0x51: {  	_ =	shalt  }
0x52: {  	_ =	shalt  }
0x53: {  	_ =	shalt  }
0x54: {  	_ =	shalt  }
0x55: {  	_ =	shalt  }
0x56: {  	_ =	shalt  }
0x57: {  	_ =	shalt  }
0x58: {  	_ =	shalt  }
0x59: {  	_ =	shalt  }
0x5a: {  	_ =	shalt  }
0x5b: {  	_ =	shalt  }
0x5c: {  	_ =	shalt  }
0x5d: {  	_ =	shalt  }
0x5e: {  	_ =	shalt  }
0x5f: {  	_ =	shalt  }
0x60: {  	_ =	shalt  }
0x61: {  	_ =	shalt  }
0x62: {  	_ =	shalt  }
0x63: {  	_ =	shalt  }
0x64: {  	_ =	shalt  }
0x65: {  	_ =	shalt  }
0x66: {  	_ =	shalt  }
0x67: {  	_ =	shalt  }
0x68: {  	_ =	shalt  }
0x69: {  	_ =	shalt  }
0x6a: {  	_ =	shalt  }
0x6b: {  	_ =	shalt  }
0x6c: {  	_ =	shalt  }
0x6d: {  	_ =	shalt  }
0x6e: {  	_ =	shalt  }
0x6f: {  	_ =	shalt  }
0x70: {  	_ =	shalt  }
0x71: {  	_ =	shalt  }
0x72: {  	_ =	shalt  }
0x73: {  	_ =	shalt  }
0x74: {  	_ =	shalt  }
0x75: {  	_ =	shalt  }
0x76: {  	_ =	shalt  }
0x77: {  	_ =	shalt  }
0x78: {  	_ =	shalt  }
0x79: {  	_ =	shalt  }
0x7a: {  	_ =	shalt  }
0x7b: {  	_ =	shalt  }
0x7c: {  	_ =	shalt  }
0x7d: {  	_ =	shalt  }
0x7e: {  	_ =	shalt  }
0x7f: {  	_ =	shalt  }
0x80: {  	_ =	shalt  }
0x81: {  	_ =	shalt  }
0x82: {  	_ =	shalt  }
0x83: {  	_ =	shalt  }
0x84: {  	_ =	shalt  }
0x85: {  	_ =	shalt  }
0x86: {  	_ =	shalt  }
0x87: {  	_ =	shalt  }
.Lfunc_end0:
.L_simem_size_0:
called_computation_lowered:
.L_overlay_start_0:
0x88: {  	s2 =	sld [smem:$0x3FD9]  }
0x89: {  	s3 =	sld [smem:$0x3FFE];
	_ =	sdelay $0x1  }
0x8a: {  	s1 =	srdreg.scid  }
0x8b: {  	s0 =	sand.u32 $0x1, s1  }
0x8c: {  	s17 =	sshll.u32 s0, $0xA;
	s2 =	sadd.s32 s3, s2  }
0x8d: {  	s2 =	sadd.s32 s2, s17  }
0x8e: {  	[smem:$0x3FC6] =	sst s2  }
0x8f: {  	_ = 	snop  }
0x90: {  	s2 =	sld [smem:$0x3FD0];
	(tm) =	ssettm $0x1  }
0x91: {  	s18 =	sld [smem:$0x3FFB];
	_ =	sdelay $0x3  }
0x92: {  	_ =	strace s18  }
0x93: {  	s3 =	sld [smem:$0x3FFC];
	_ =	sdelay $0x3  }
0x94: {  	_ =	strace s3  }
0x95: {  	s3 =	sld [smem:$0x3FFD];
	_ =	sdelay $0x3  }
0x96: {  	_ =	strace s3  }
0x97: {  	_ =	strace $0x8FFFFFFF  }
0x98: {  	s19 =	sld [smem:$0x3FDB];
	_ =	sdelay $0x1  }
0x99: {  	s4 =	simm.s32 $_scs_section_size  }
0x9a: {  	s5 =	simm.s32 $_size__tile_overlayer_lowered;
	s6 =	simm.s32 $_tile_overlayer_lowered  }
0x9b: {  	s22 =	simm.s32 $0x1BFF;
	s21 =	sshll.u32 s6, $0x1;
	s3 =	sadd.s32 s4, s19  }
0x9c: {  	s7 =	simm.s32 $0x0;
	s20 =	sshll.u32 s5, $0x1;
	s5 =	sadd.s32 s21, s3  }
0x9d: {  	[timem:s7], [sflag:s22] =	dma.local [hbm:s5], s20  }
0x9e: {  	_ =	swait.ge [sflag:s22], s20  }
0x9f: {  	s4 =	ssub.s32 $0x0, s20;
	[sflag:s22] =	ssyncset.done $0x0  }
0xa0: {  	[sflag:s22] =	ssyncadd.s32 s4;
	_ =	sdelay $0x1  }
0xa1: {  	s23 =	simm.s32 $0x1B8B  }
0xa2: {  	_ =	swait.ge [sflag:s23], $0x1  }
0xa3: {  	[sflag:s23] =	ssyncset.done $0x0  }
0xa4: {  	s25 =	simm.s32 $0x1B8E;
	s24 =	sld [smem:$0x3FFE];
	[sflag:s23] =	ssyncadd.s32 $0xFFFFFFFF  }
0xa5: {  	s26 =	simm.s32 $execute0_lowered;
	[smem:$0x3FD2] =	sst s25  }
0xa6: {  	s5 =	sshll.u32 s26, $0x1;
	_ =	strace $0x80000046;
	[dreg:$0x1] =	wrdreg $0xFFFFFFFF  }
0xa7: {  	s28 =	simm.s32 $_size_execute0_lowered;
	s3 =	sadd.s32 s3, s5;
	[dreg:$0x0] =	wrdreg $0x0  }
0xa8: {  	s5 =	sshll.u32 s28, $0x1;
	[dreg:$0x2] =	wrdreg s3  }
0xa9: {  	[dreg:$0x3] =	wrdreg s5  }
0xaa: {  	[dreg:$0x4] =	wrdreg $0xC0  }
0xab: {  	_ =	task [dreg:s7], $0x5FFFF  }
0xac: {  	[dreg:$0x1] =	wrdreg $0xFFFFFFFF  }
0xad: {  	[dreg:$0x0] =	wrdreg $0x60  }
0xae: {  	[dreg:$0x2] =	wrdreg s24  }
0xaf: {  	[dreg:$0x3] =	wrdreg s2  }
0xb0: {  	[dreg:$0x4] =	wrdreg $0x0  }
0xb1: {  	[dreg:$0x5] =	wrdreg $0x9  }
0xb2: {  	_ =	task.clear_ibuf [dreg:s7], $0x6FFFF;
	_ =	strace $0x90000046  }
0xb3: {  	s29 =	simm.s32 $0x9;
	_ =	strace $0x80000048  }
0xb4: {  	_ =	swait.ge [sflag:s29], $0x1  }
0xb5: {  	[sflag:s29] =	ssyncadd.s32 $0xFFFFFFFF  }
0xb6: {  	_ =	strace $0x90000048  }
0xb7: {  	_ =	sfence  }
0xb8: {  	s30 =	sld [smem:$0x0];
	_ =	sdelay $0x2  }
0xb9: {  	s31 =	sshll.u32 s1, $0xD;
	s1 =	sshrl.u32 s1, $0x2  }
0xba: {  	s3 =	sand.u32 $0x4000, s31;
	s1 =	sadd.s32 s1, s30  }
0xbb: {  	s0 =	sor.u32 s3, s0;
	s1 =	sshll.u32 s1, $0x11  }
0xbc: {  	s0 =	sor.u32 s1, s0  }
0xbd: {  	s0 =	sadd.s32 $0x8F2B, s0  }
0xbe: {  	[sflag:s0] =	ssyncadd.remote.s32 $0x1  }
0xbf: {  	_ =	sfence.sel $0xFFFF  }
0xc0: {  	[dreg:$0x0] =	wrdreg $0xFFFFFFFF;
	(pc) =	sbr.abs _section_cstart, $3  }
0xc1: {  	[dreg:$0x1] =	wrdreg $0xFFFFFFFF  }
0xc2: {  	_ =	task.clear_ibuf [dreg:s7], $0x2FFFF;
	_ =	strace $0x9FFFFFFF  }
0xc3: {  	(tm) =	ssettm $0x7FFFFFFF  }
tec
execute0_lowered:
.L_overlay_start_1:
0x0: {  	(tag) =	ssettag $0x1  }
0x1: {  	s4 =	rddreg [dreg:$0x0]  }
0x2: {  	s10 =	rddreg [dreg:$0x1]  }
0x3: {  	s11 =	rddreg [dreg:$0x2]  }
0x4: {  	s1 =	stileid.u32;
	s0 =	rddreg [dreg:$0x3]  }
0x5: {  	s2 =	simm.s32 $0x0;
	s25 =	srdreg.scid;
	s3 =	smul.u32 $0x180000, s1  }
0x6: {  	[smem:$0x7FF] =	sst s2;
	s28 =	sand.u32 $0x1, s25;
	s29 =	sshll.u32 s1, $0x11  }
0x7: {  	s2 =	sadd.s32 $0x400, s4;
	p0 =	sgt.u32 s1, $0x3;
	s30 =	sand.u32 $0x3, s1  }
0x8: {  	s21 =	sshll.u32 s1, $0x6;
	_ =	strace $0x80000047;
	s5 =	sshll.u32 s28, $0x10  }
0x9: {  	s9 =	sshll.u32 @!p0 s1, $0x6;
	s13 =	smul.u32 $0x180000, s30;
	s21 =	sor.u32 $0x1C02, s21  }
0xa: {  	s26 =	sshrl.u32 s3, $0x2;
	s12 =	sor.u32 s5, s29;
	s3 =	sadd.s32 $0x4400, s4  }
0xb: {  	s4 =	sadd.s32 $0x8400, s4;
	s5 =	sor.u32 @!p0 $0x1C01, s9;
	s6 =	sadd.s32 s26, s11  }
0xc: {  	s9 =	simm.s32 @!p0 $0x1;
	s7 =	sadd.s32 $0x20000, s6;
	s8 =	sadd.s32 $0x40000, s6  }
0xd: {  	s6 =	sshrl.u32 @!p0 s6, $0x3;
	s7 =	sshrl.u32 @!p0 s7, $0x3;
	s8 =	sshrl.u32 @!p0 s8, $0x3  }
0xe: {  	[spmem:s6], [sflag:s5] =	dma.local @!p0 [hbm:s2], $0x4000  }
0xf: {  	[spmem:s7], [sflag:s5] =	dma.local @!p0 [hbm:s3], $0x4000  }
0x10: {  	[spmem:s8], [sflag:s5] =	dma.local @!p0 [hbm:s4], $0x4000  }
0x11: {  	s10 =	sadd.s32 s10, s12;
	s31 =	sshrl.u32 s13, $0x2;
	_ =	swait.ge @!p0 [sflag:s9], $0x4000  }
0x12: {  	s26 =	simm.s32 $0x2;
	s24 =	sadd.s32 s31, s11;
	[sflag:s9] =	ssyncset.done @!p0 $0x0  }
0x13: {  	s11 =	sadd.s32 $0x4000, s10;
	s12 =	sadd.s32 $0x8000, s10;
	[sflag:s9] =	ssyncadd.s32 @!p0 $0xFFFFC000  }
0x14: {  	s13 =	sadd.s32 $0xC000, s10;
	s14 =	sadd.s32 $0x200000, s10;
	_ =	swait.ge @!p0 [sflag:s9], $0x4000  }
0x15: {  	s15 =	sadd.s32 $0x204000, s10;
	s16 =	sadd.s32 $0x208000, s10;
	[sflag:s9] =	ssyncset.done @!p0 $0x0  }
0x16: {  	s17 =	sadd.s32 $0x20C000, s10;
	s18 =	sadd.s32 $0x400000, s10;
	[sflag:s9] =	ssyncadd.s32 @!p0 $0xFFFFC000  }
0x17: {  	s19 =	sadd.s32 $0x404000, s10;
	s20 =	sadd.s32 $0x408000, s10;
	_ =	swait.ge @!p0 [sflag:s9], $0x4000  }
0x18: {  	s25 =	sadd.s32 $0x40C000, s10;
	s22 =	sadd.s32 $0x20000, s24;
	[sflag:s9] =	ssyncset.done @!p0 $0x0  }
0x19: {  	s23 =	sadd.s32 $0x40000, s24;
	s24 =	sshrl.u32 s24, $0x3;
	[sflag:s9] =	ssyncadd.s32 @!p0 $0xFFFFC000  }
0x1a: {  	s22 =	sshrl.u32 s22, $0x3;
	s23 =	sshrl.u32 s23, $0x3;
	[bflag:$0x0] =	sbarrier.arrive $0xFFFF  }
0x1b: {  	[hbm:s10], [sflag:s21] =	dma.local [spmem:s24], $0x4000  }
0x1c: {  	[hbm:s11], [sflag:s21] =	dma.local [spmem:s24], $0x4000  }
0x1d: {  	[hbm:s12], [sflag:s21] =	dma.local [spmem:s24], $0x4000  }
0x1e: {  	[hbm:s13], [sflag:s21] =	dma.local [spmem:s24], $0x4000  }
0x1f: {  	[hbm:s14], [sflag:s21] =	dma.local [spmem:s22], $0x4000  }
0x20: {  	[hbm:s15], [sflag:s21] =	dma.local [spmem:s22], $0x4000  }
0x21: {  	[hbm:s16], [sflag:s21] =	dma.local [spmem:s22], $0x4000  }
0x22: {  	[hbm:s17], [sflag:s21] =	dma.local [spmem:s22], $0x4000  }
0x23: {  	[hbm:s18], [sflag:s21] =	dma.local [spmem:s23], $0x4000  }
0x24: {  	[hbm:s19], [sflag:s21] =	dma.local [spmem:s23], $0x4000  }
0x25: {  	[hbm:s20], [sflag:s21] =	dma.local [spmem:s23], $0x4000  }
0x26: {  	[hbm:s25], [sflag:s21] =	dma.local [spmem:s23], $0x4000  }
0x27: {  	_ =	swait.ge [sflag:s26], $0x4000  }
0x28: {  	[sflag:s26] =	ssyncset.done $0x0  }
0x29: {  	[sflag:s26] =	ssyncadd.s32 $0xFFFFC000  }
0x2a: {  	_ =	swait.ge [sflag:s26], $0x4000  }
0x2b: {  	[sflag:s26] =	ssyncset.done $0x0  }
0x2c: {  	[sflag:s26] =	ssyncadd.s32 $0xFFFFC000  }
0x2d: {  	_ =	swait.ge [sflag:s26], $0x4000  }
0x2e: {  	[sflag:s26] =	ssyncset.done $0x0  }
0x2f: {  	[sflag:s26] =	ssyncadd.s32 $0xFFFFC000  }
0x30: {  	_ =	swait.ge [sflag:s26], $0x4000  }
0x31: {  	[sflag:s26] =	ssyncset.done $0x0  }
0x32: {  	[sflag:s26] =	ssyncadd.s32 $0xFFFFC000  }
0x33: {  	_ =	swait.ge [sflag:s26], $0x4000  }
0x34: {  	[sflag:s26] =	ssyncset.done $0x0  }
0x35: {  	[sflag:s26] =	ssyncadd.s32 $0xFFFFC000  }
0x36: {  	_ =	swait.ge [sflag:s26], $0x4000  }
0x37: {  	[sflag:s26] =	ssyncset.done $0x0  }
0x38: {  	[sflag:s26] =	ssyncadd.s32 $0xFFFFC000  }
0x39: {  	_ =	swait.ge [sflag:s26], $0x4000  }
0x3a: {  	[sflag:s26] =	ssyncset.done $0x0  }
0x3b: {  	[sflag:s26] =	ssyncadd.s32 $0xFFFFC000  }
0x3c: {  	_ =	swait.ge [sflag:s26], $0x4000  }
0x3d: {  	[sflag:s26] =	ssyncset.done $0x0  }
0x3e: {  	[sflag:s26] =	ssyncadd.s32 $0xFFFFC000  }
0x3f: {  	s28 =	ssub.s32 $0x2, s28;
	_ =	swait.ge [sflag:s26], $0x4000  }
0x40: {  	s29 =	sshrl.u32 s28, $0x1;
	[sflag:s26] =	ssyncset.done $0x0  }
0x41: {  	s28 =	ssub.s32 s28, s29;
	[sflag:s26] =	ssyncadd.s32 $0xFFFFC000  }
0x42: {  	s28 =	smax.u32 s28, $0x1;
	_ =	swait.ge [sflag:s26], $0x4000  }
0x43: {  	s28 =	sadd.s32 $0xFFFFFFFF, s28;
	[sflag:s26] =	ssyncset.done $0x0  }
0x44: {  	p1 =	sne.s32 s28, $0x0;
	[sflag:s26] =	ssyncadd.s32 $0xFFFFC000  }
.Ltmp0:
0x45: {  	_ =	swait.ge [sflag:s26], $0x4000;
	(pc) =	sbr.rel @!p1 .LBB2_2-.Ltmp0, $4  }
0x46: {  	[sflag:s26] =	ssyncset.done $0x0  }
0x47: {  	[sflag:s26] =	ssyncadd.s32 $0xFFFFC000  }
0x48: {  	_ =	swait.ge [sflag:s26], $0x4000  }
0x49: {  	[sflag:s26] =	ssyncset.done $0x0  }
.LBB2_1:
0x4a: {  	s28 =	sadd.s32 $0xFFFFFFFF, s28;
	[sflag:s26] =	ssyncadd.s32 $0xFFFFC000  }
0x4b: {  	[spmem:s6], [sflag:s5] =	dma.local @!p0 [hbm:s2], $0x4000  }
0x4c: {  	[spmem:s7], [sflag:s5] =	dma.local @!p0 [hbm:s3], $0x4000  }
0x4d: {  	[spmem:s8], [sflag:s5] =	dma.local @!p0 [hbm:s4], $0x4000  }
0x4e: {  	p1 =	sne.s32 s28, $0x0;
	_ =	swait.ge @!p0 [sflag:s9], $0x4000  }
0x4f: {  	[sflag:s9] =	ssyncset.done @!p0 $0x0  }
0x50: {  	[sflag:s9] =	ssyncadd.s32 @!p0 $0xFFFFC000  }
0x51: {  	_ =	swait.ge @!p0 [sflag:s9], $0x4000  }
0x52: {  	[sflag:s9] =	ssyncset.done @!p0 $0x0  }
0x53: {  	[sflag:s9] =	ssyncadd.s32 @!p0 $0xFFFFC000  }
0x54: {  	_ =	swait.ge @!p0 [sflag:s9], $0x4000  }
0x55: {  	[sflag:s9] =	ssyncset.done @!p0 $0x0  }
0x56: {  	[sflag:s9] =	ssyncadd.s32 @!p0 $0xFFFFC000  }
0x57: {  	[bflag:$0x0] =	sbarrier.arrive $0xFFFF  }
0x58: {  	[hbm:s10], [sflag:s21] =	dma.local [spmem:s24], $0x4000  }
0x59: {  	[hbm:s11], [sflag:s21] =	dma.local [spmem:s24], $0x4000  }
0x5a: {  	[hbm:s12], [sflag:s21] =	dma.local [spmem:s24], $0x4000  }
0x5b: {  	[hbm:s13], [sflag:s21] =	dma.local [spmem:s24], $0x4000  }
0x5c: {  	[hbm:s14], [sflag:s21] =	dma.local [spmem:s22], $0x4000  }
0x5d: {  	[hbm:s15], [sflag:s21] =	dma.local [spmem:s22], $0x4000  }
0x5e: {  	[hbm:s16], [sflag:s21] =	dma.local [spmem:s22], $0x4000  }
0x5f: {  	[hbm:s17], [sflag:s21] =	dma.local [spmem:s22], $0x4000  }
0x60: {  	[hbm:s18], [sflag:s21] =	dma.local [spmem:s23], $0x4000  }
0x61: {  	[hbm:s19], [sflag:s21] =	dma.local [spmem:s23], $0x4000  }
0x62: {  	[hbm:s20], [sflag:s21] =	dma.local [spmem:s23], $0x4000  }
0x63: {  	[hbm:s25], [sflag:s21] =	dma.local [spmem:s23], $0x4000  }
0x64: {  	_ =	swait.ge [sflag:s26], $0x4000  }
0x65: {  	[sflag:s26] =	ssyncset.done $0x0  }
0x66: {  	[sflag:s26] =	ssyncadd.s32 $0xFFFFC000  }
0x67: {  	_ =	swait.ge [sflag:s26], $0x4000  }
0x68: {  	[sflag:s26] =	ssyncset.done $0x0  }
0x69: {  	[sflag:s26] =	ssyncadd.s32 $0xFFFFC000  }
0x6a: {  	_ =	swait.ge [sflag:s26], $0x4000  }
0x6b: {  	[sflag:s26] =	ssyncset.done $0x0  }
0x6c: {  	[sflag:s26] =	ssyncadd.s32 $0xFFFFC000  }
0x6d: {  	_ =	swait.ge [sflag:s26], $0x4000  }
0x6e: {  	[sflag:s26] =	ssyncset.done $0x0  }
0x6f: {  	[sflag:s26] =	ssyncadd.s32 $0xFFFFC000  }
0x70: {  	_ =	swait.ge [sflag:s26], $0x4000  }
0x71: {  	[sflag:s26] =	ssyncset.done $0x0  }
0x72: {  	[sflag:s26] =	ssyncadd.s32 $0xFFFFC000  }
0x73: {  	_ =	swait.ge [sflag:s26], $0x4000  }
0x74: {  	[sflag:s26] =	ssyncset.done $0x0  }
0x75: {  	[sflag:s26] =	ssyncadd.s32 $0xFFFFC000  }
0x76: {  	_ =	swait.ge [sflag:s26], $0x4000  }
0x77: {  	[sflag:s26] =	ssyncset.done $0x0  }
0x78: {  	[sflag:s26] =	ssyncadd.s32 $0xFFFFC000  }
0x79: {  	_ =	swait.ge [sflag:s26], $0x4000  }
0x7a: {  	[sflag:s26] =	ssyncset.done $0x0  }
0x7b: {  	[sflag:s26] =	ssyncadd.s32 $0xFFFFC000  }
0x7c: {  	_ =	swait.ge [sflag:s26], $0x4000  }
0x7d: {  	[sflag:s26] =	ssyncset.done $0x0  }
0x7e: {  	[sflag:s26] =	ssyncadd.s32 $0xFFFFC000  }
0x7f: {  	_ =	swait.ge [sflag:s26], $0x4000  }
0x80: {  	[sflag:s26] =	ssyncset.done $0x0  }
0x81: {  	[sflag:s26] =	ssyncadd.s32 $0xFFFFC000  }
.Ltmp1:
0x82: {  	_ =	swait.ge [sflag:s26], $0x4000;
	(pc) =	sbr.rel @p1 .LBB2_1-.Ltmp1, $4  }
0x83: {  	[sflag:s26] =	ssyncset.done $0x0  }
0x84: {  	[sflag:s26] =	ssyncadd.s32 $0xFFFFC000  }
0x85: {  	_ =	swait.ge [sflag:s26], $0x4000  }
0x86: {  	[sflag:s26] =	ssyncset.done $0x0  }
.LBB2_2:
0x87: {  	[sflag:s26] =	ssyncadd.s32 $0xFFFFC000  }
0x88: {  	_ =	sfence.sel $0x180000  }
0x89: {  	[bflag:$0x0] =	sbarrier.arrive $0xFFFF  }
0x8a: {  	p0 =	sne.s32 s1, $0x0;
	_ =	strace $0x90000047  }
0x8b: {  	s0 =	sadd.s32 @!p0 $0x100000, s0;
	[bflag:$0x2] =	sbarrier.arrive $0xFFFF  }
0x8c: {  	[sflag:s0] =	ssyncadd.tile.s32 @!p0 $0x1;
	_ =	shalt  }
.Lfunc_end2:
_tile_overlayer_lowered:
.L_overlay_start_2:
0x8d: {  	(tag) =	ssettag $0x2  }
0x8e: {  	s0 =	rddreg [dreg:$0x0];
	s2 =	stileid.u32  }
0x8f: {  	s1 =	rddreg [dreg:$0x1];
	p0 =	sne.s32 s2, $0x0  }
0x90: {  	s3 =	rddreg [dreg:$0x2];
	[bflag:$0x3] =	sbarrier.arrive $0xFFFF;
	s2 =	simm.s32 @!p0 $0x1C03  }
0x91: {  	[timem:s3], [sflag:s2] =	dma.local @!p0 [hbm:s0], s1  }
0x92: {  	s0 =	simm.s32 @!p0 $0x3  }
0x93: {  	_ =	swait.ge @!p0 [sflag:s0], s1  }
0x94: {  	s1 =	ssub.s32 @!p0 $0x0, s1;
	[sflag:s0] =	ssyncset.done @!p0 $0x0  }
0x95: {  	[sflag:s0] =	ssyncadd.s32 @!p0 s1  }
0x96: {  	[bflag:$0x3] =	sbarrier.arrive $0xFFFF  }
0x97: {  	_ =	shalt  }

</sc_bundles>
